<compile_context>
chip_gen: v7x
topology: tpu7x:2x2x1
jax: 0.10.2.dev20260603
libtpu: 0.0.44.dev20260713+nightly
codegen_flags: <defaults>
</compile_context>

<pallas_src>
import functools

import jax
import jax.numpy as jnp
from jax import lax
from jax.experimental import pallas as pl
from jax.experimental.pallas import tpu as pltpu
from jax.experimental.pallas import tpu_sc as plsc

_B, _S, _D = 4, 4096, 2048
_NC, _NS = 2, 16
_NW = _NC * _NS
_RPW = (_B * _S) // _NW
_WPB = _S // _RPW
_K = 8
_NBUF = 4
_NCHUNK = _RPW // _K
_NITER = _NCHUNK // _NBUF
_L = 16

_mesh = plsc.VectorSubcoreMesh(core_axis_name="c", subcore_axis_name="s")


@functools.partial(
    pl.kernel,
    mesh=_mesh,
    out_type=jax.ShapeDtypeStruct((_B * _S, _D), jnp.float32),
    scratch_types=(
        [pltpu.VMEM((_RPW,), jnp.int32)]
        + [pltpu.VMEM((_K, _D), jnp.float32)] * _NBUF
        + [pltpu.SemaphoreType.DMA] * (2 * _NBUF)
    ),
)
def _permute_rows(x_hbm, perm_hbm, out_hbm, idx_v, *rest):
    bufs = rest[:_NBUF]
    gsem = rest[_NBUF:2 * _NBUF]
    ssem = rest[2 * _NBUF:]

    wid = lax.axis_index("s") * _NC + lax.axis_index("c")
    base = wid * _RPW
    b = wid // _WPB
    soff = (wid % _WPB) * _RPW
    pltpu.sync_copy(perm_hbm.at[pl.ds(soff, _RPW)], idx_v)

    row0 = b * _S

    def add_off(k, carry):
        sl = pl.ds(k * _L, _L)
        idx_v[sl] = idx_v[sl] + row0
        return carry

    lax.fori_loop(0, _RPW // _L, add_off, 0)

    def gather(c, j):
        return pltpu.make_async_copy(
            x_hbm.at[idx_v.at[pl.ds(c * _K, _K)]], bufs[j], gsem[j])

    def store(c, j):
        return pltpu.make_async_copy(
            bufs[j], out_hbm.at[pl.ds(base + c * _K, _K)], ssem[j])

    for j in range(_NBUF):
        gather(j, j).start()

    def body(i, carry):
        for j in range(_NBUF):
            c = i * _NBUF + j
            gather(c, j).wait()
            store(c, j).start()

            @pl.when(i < _NITER - 1)
            def _():
                store(c, j).wait()
                gather(c + _NBUF, j).start()
        return carry

    lax.fori_loop(0, _NITER, body, 0)

    for j in range(_NBUF):
        store(_NCHUNK - _NBUF + j, j).wait()


def kernel(x, perm_indices):
    out = _permute_rows(x.reshape(_B * _S, _D),
                        perm_indices.astype(jnp.int32))
    return out.reshape(_B, _S, _D)

# --- scband reference (transcript-rebuilt; emitter-appended) ---
"""Pipeline reference for scband-permutation-random-24902220382331 (READ-ONLY COPY).

The authoritative reference and input builder live on the scoring server;
editing this copy changes nothing except your own understanding.
"""

import jax, jax.numpy as jnp
import numpy as np


def setup_inputs(seed: int = 0) -> dict:
    key = jax.random.key(seed)
    k1, k2 = jax.random.split(key)
    x = jax.random.normal(k1, (4, 4096, 2048), dtype=jnp.float32)
    # Fixed random permutation buffer (analog of torch.randperm with fixed seed)
    perm_indices = jax.random.permutation(k2, 4096)
    return {"x": x, "perm_indices": perm_indices}


def reference(x, perm_indices):
    # PermutationRandom.forward with dim=1, inverse=False:
    # torch.index_select(x, 1, perm_indices)
    return jnp.take(x, perm_indices, axis=1)

if __name__ == "__main__":
    import jax
    _d = setup_inputs()
    print(jax.jit(kernel)(*tuple(_d.values())))

</pallas_src>

<mosaic_0001>
#map = affine_map<(d0, d1) -> (0, 0)>
#map1 = affine_map<(d0, d1) -> (0)>
module attributes {stable_mosaic.version = 14 : i64} {
  func.func @_permute_rows(%arg0: i32, %arg1: i32, %arg2: memref<16384x2048xf32, #tpu.memory_space<hbm>>, %arg3: memref<4096xi32, #tpu.memory_space<hbm>>, %arg4: memref<16384x2048xf32, #tpu.memory_space<hbm>>, %arg5: memref<512xi32, #tpu.memory_space<vmem>>, %arg6: memref<8x2048xf32, #tpu.memory_space<vmem>>, %arg7: memref<8x2048xf32, #tpu.memory_space<vmem>>, %arg8: memref<8x2048xf32, #tpu.memory_space<vmem>>, %arg9: memref<8x2048xf32, #tpu.memory_space<vmem>>, %arg10: memref<!tpu.dma_semaphore, #tpu.memory_space<semaphore_mem>>, %arg11: memref<!tpu.dma_semaphore, #tpu.memory_space<semaphore_mem>>, %arg12: memref<!tpu.dma_semaphore, #tpu.memory_space<semaphore_mem>>, %arg13: memref<!tpu.dma_semaphore, #tpu.memory_space<semaphore_mem>>, %arg14: memref<!tpu.dma_semaphore, #tpu.memory_space<semaphore_mem>>, %arg15: memref<!tpu.dma_semaphore, #tpu.memory_space<semaphore_mem>>, %arg16: memref<!tpu.dma_semaphore, #tpu.memory_space<semaphore_mem>>, %arg17: memref<!tpu.dma_semaphore, #tpu.memory_space<semaphore_mem>>) attributes {dimension_semantics = [#tpu.dimension_semantics<core_parallel>, #tpu.dimension_semantics<subcore_parallel>], iteration_bounds = array<i64: 2, 16>, scalar_prefetch = 0 : i64, scratch_operands = 13 : i64, tpu.core_type = #tpu.core_type<sc_vector_subcore>, window_params = [{transform_indices = #map}, {transform_indices = #map1}, {transform_indices = #map}]} {
    %mul3A = arith.constant 2 : i32
    %mul3A_0 = arith.muli %arg1, %mul3A : i32
    %add3A = arith.addi %mul3A_0, %arg0 : i32
    %mul3A_1 = arith.constant 512 : i32
    %mul3A_2 = arith.muli %add3A, %mul3A_1 : i32
    %jit3A = arith.constant 8 : i32
    %div3A = arith.divsi %add3A, %jit3A : i32
    %sign3A = arith.constant 0 : i32
    %sign3A_3 = arith.cmpi sgt, %add3A, %sign3A : i32
    %sign3A_4 = arith.extui %sign3A_3 : i1 to i32
    %sign3A_5 = arith.constant 0 : i32
    %sign3A_6 = arith.cmpi slt, %add3A, %sign3A_5 : i32
    %sign3A_7 = arith.extui %sign3A_6 : i1 to i32
    %sign3A_8 = arith.subi %sign3A_4, %sign3A_7 : i32
    %sign3A_9 = arith.constant 0 : i32
    %sign3A_10 = arith.cmpi sgt, %jit3A, %sign3A_9 : i32
    %sign3A_11 = arith.extui %sign3A_10 : i1 to i32
    %sign3A_12 = arith.constant 0 : i32
    %sign3A_13 = arith.cmpi slt, %jit3A, %sign3A_12 : i32
    %sign3A_14 = arith.extui %sign3A_13 : i1 to i32
    %sign3A_15 = arith.subi %sign3A_11, %sign3A_14 : i32
    %ne3A = arith.cmpi ne, %sign3A_8, %sign3A_15 : i32
    %rem3A = arith.remsi %add3A, %jit3A : i32
    %ne3A_16 = arith.constant 0 : i32
    %ne3A_17 = arith.cmpi ne, %rem3A, %ne3A_16 : i32
    %and3A = arith.andi %ne3A, %ne3A_17 : i1
    %sub3A = arith.constant 1 : i32
    %sub3A_18 = arith.subi %div3A, %sub3A : i32
    %select_n3A = arith.select %and3A, %sub3A_18, %div3A : i32
    %jit3A_19 = arith.constant 8 : i32
    %eq3A = arith.constant 0 : i32
    %eq3A_20 = arith.cmpi eq, %jit3A_19, %eq3A : i32
    %jit3A_21 = arith.constant 1 : i32
    %select_n3A_22 = arith.select %eq3A_20, %jit3A_21, %jit3A_19 : i32
    %rem3A_23 = arith.remsi %add3A, %select_n3A_22 : i32
    %ne3A_24 = arith.constant 0 : i32
    %ne3A_25 = arith.cmpi ne, %rem3A_23, %ne3A_24 : i32
    %lt3A = arith.constant 0 : i32
    %lt3A_26 = arith.cmpi slt, %rem3A_23, %lt3A : i32
    %lt3A_27 = arith.constant 0 : i32
    %lt3A_28 = arith.cmpi slt, %select_n3A_22, %lt3A_27 : i32
    %ne3A_29 = arith.xori %lt3A_26, %lt3A_28 : i1
    %and3A_30 = arith.andi %ne3A_29, %ne3A_25 : i1
    %add3A_31 = arith.addi %rem3A_23, %select_n3A_22 : i32
    %select_n3A_32 = arith.select %and3A_30, %add3A_31, %rem3A_23 : i32
    %mul3A_33 = arith.constant 512 : i32
    %mul3A_34 = arith.muli %select_n3A_32, %mul3A_33 : i32
    "tpu.region"() ({
      %run_scoped3A = tpu.sem_alloc : memref<!tpu.dma_semaphore, #tpu.memory_space<semaphore_mem>>
      %dma_start3A_90 = tpu.memref_slice %arg3[%mul3A_34] : memref<4096xi32, #tpu.memory_space<hbm>> -> memref<512xi32, #tpu.memory_space<hbm>>
      %dma_start3A_91 = tpu.memref_slice %arg3[%mul3A_34] : memref<4096xi32, #tpu.memory_space<hbm>> -> memref<512xi32, #tpu.memory_space<hbm>>
      tpu.enqueue_dma source(%dma_start3A_91 : memref<512xi32, #tpu.memory_space<hbm>>) target(%arg5 : memref<512xi32, #tpu.memory_space<vmem>>) target_semaphore(%run_scoped3A : memref<!tpu.dma_semaphore, #tpu.memory_space<semaphore_mem>>)
      %dma_wait3A_92 = tpu.memref_slice %arg3[%mul3A_34] : memref<4096xi32, #tpu.memory_space<hbm>> -> memref<512xi32, #tpu.memory_space<hbm>>
      %dma_wait3A_93 = tpu.memref_slice %arg3[%mul3A_34] : memref<4096xi32, #tpu.memory_space<hbm>> -> memref<512xi32, #tpu.memory_space<hbm>>
      tpu.wait_dma2 semaphore(%run_scoped3A : memref<!tpu.dma_semaphore, #tpu.memory_space<semaphore_mem>>) src(%dma_wait3A_93 : memref<512xi32, #tpu.memory_space<hbm>>) dst(%arg5 : memref<512xi32, #tpu.memory_space<vmem>>)
      tpu.yield
    }) : () -> ()
    %mul3A_35 = arith.constant 4096 : i32
    %mul3A_36 = arith.muli %select_n3A, %mul3A_35 : i32
    %scan3A = arith.constant 0 : i32
    %scan3A_37 = arith.constant 0 : i32
    %scan3A_38 = arith.constant 32 : i32
    %scan3A_39 = arith.addi %scan3A_37, %scan3A_38 : i32
    %scan3A_40 = arith.constant 1 : i32
    scf.for %scan3A_90 = %scan3A_37 to %scan3A_39 step %scan3A_40  : i32 {
      %mul3A_91 = arith.constant 16 : i32
      %mul3A_92 = arith.muli %scan3A_90, %mul3A_91 : i32
      %get3A = arith.index_cast %mul3A_92 : i32 to index
      %get3A_93 = tpu.vector_load %arg5[%get3A] {strides = array<i32>} : memref<512xi32, #tpu.memory_space<vmem>>, vector<16xi32>,
      %get3A_94 = vector.shape_cast %get3A_93 : vector<16xi32> to vector<16xi32>
      %add3A_95 = vector.broadcast %mul3A_36 : i32 to vector<16xi32>
      %add3A_96 = arith.addi %get3A_94, %add3A_95 : vector<16xi32>
      %swap3A = arith.index_cast %mul3A_92 : i32 to index
      %swap3A_97 = tpu.vector_load %arg5[%swap3A] {strides = array<i32>} : memref<512xi32, #tpu.memory_space<vmem>>, vector<16xi32>,
      %swap3A_98 = vector.shape_cast %swap3A_97 : vector<16xi32> to vector<16xi32>
      %swap3A_99 = vector.shape_cast %add3A_96 : vector<16xi32> to vector<16xi32>
      tpu.vector_store %arg5[%swap3A], %swap3A_99 {strides = array<i32>} : memref<512xi32, #tpu.memory_space<vmem>>, vector<16xi32>,
    }
    %scan3A_41 = arith.constant 32 : i32
    %dma_start3A = arith.constant 0 : i32
    %dma_start3A_42 = tpu.memref_slice %arg5[%dma_start3A] : memref<512xi32, #tpu.memory_space<vmem>> -> memref<8xi32, #tpu.memory_space<vmem>>
    %dma_start3A_43 = arith.constant 0 : i32
    %dma_start3A_44 = arith.constant 0 : i32
    %dma_start3A_45 = tpu.memref_slice %arg2[%dma_start3A_43, %dma_start3A_44] : memref<16384x2048xf32, #tpu.memory_space<hbm>> -> memref<16384x2048xf32, #tpu.memory_space<hbm>>
    tpu.enqueue_indirect_dma source(%dma_start3A_45 : memref<16384x2048xf32, #tpu.memory_space<hbm>>) target(%arg6 : memref<8x2048xf32, #tpu.memory_space<vmem>>) offsets(%dma_start3A_42 : memref<8xi32, #tpu.memory_space<vmem>>) semaphore(%arg10 : memref<!tpu.dma_semaphore, #tpu.memory_space<semaphore_mem>>)
    %dma_start3A_46 = arith.constant 8 : i32
    %dma_start3A_47 = tpu.memref_slice %arg5[%dma_start3A_46] : memref<512xi32, #tpu.memory_space<vmem>> -> memref<8xi32, #tpu.memory_space<vmem>>
    %dma_start3A_48 = arith.constant 0 : i32
    %dma_start3A_49 = arith.constant 0 : i32
    %dma_start3A_50 = tpu.memref_slice %arg2[%dma_start3A_48, %dma_start3A_49] : memref<16384x2048xf32, #tpu.memory_space<hbm>> -> memref<16384x2048xf32, #tpu.memory_space<hbm>>
    tpu.enqueue_indirect_dma source(%dma_start3A_50 : memref<16384x2048xf32, #tpu.memory_space<hbm>>) target(%arg7 : memref<8x2048xf32, #tpu.memory_space<vmem>>) offsets(%dma_start3A_47 : memref<8xi32, #tpu.memory_space<vmem>>) semaphore(%arg11 : memref<!tpu.dma_semaphore, #tpu.memory_space<semaphore_mem>>)
    %dma_start3A_51 = arith.constant 16 : i32
    %dma_start3A_52 = tpu.memref_slice %arg5[%dma_start3A_51] : memref<512xi32, #tpu.memory_space<vmem>> -> memref<8xi32, #tpu.memory_space<vmem>>
    %dma_start3A_53 = arith.constant 0 : i32
    %dma_start3A_54 = arith.constant 0 : i32
    %dma_start3A_55 = tpu.memref_slice %arg2[%dma_start3A_53, %dma_start3A_54] : memref<16384x2048xf32, #tpu.memory_space<hbm>> -> memref<16384x2048xf32, #tpu.memory_space<hbm>>
    tpu.enqueue_indirect_dma source(%dma_start3A_55 : memref<16384x2048xf32, #tpu.memory_space<hbm>>) target(%arg8 : memref<8x2048xf32, #tpu.memory_space<vmem>>) offsets(%dma_start3A_52 : memref<8xi32, #tpu.memory_space<vmem>>) semaphore(%arg12 : memref<!tpu.dma_semaphore, #tpu.memory_space<semaphore_mem>>)
    %dma_start3A_56 = arith.constant 24 : i32
    %dma_start3A_57 = tpu.memref_slice %arg5[%dma_start3A_56] : memref<512xi32, #tpu.memory_space<vmem>> -> memref<8xi32, #tpu.memory_space<vmem>>
    %dma_start3A_58 = arith.constant 0 : i32
    %dma_start3A_59 = arith.constant 0 : i32
    %dma_start3A_60 = tpu.memref_slice %arg2[%dma_start3A_58, %dma_start3A_59] : memref<16384x2048xf32, #tpu.memory_space<hbm>> -> memref<16384x2048xf32, #tpu.memory_space<hbm>>
    tpu.enqueue_indirect_dma source(%dma_start3A_60 : memref<16384x2048xf32, #tpu.memory_space<hbm>>) target(%arg9 : memref<8x2048xf32, #tpu.memory_space<vmem>>) offsets(%dma_start3A_57 : memref<8xi32, #tpu.memory_space<vmem>>) semaphore(%arg13 : memref<!tpu.dma_semaphore, #tpu.memory_space<semaphore_mem>>)
    %scan3A_61 = arith.constant 0 : i32
    %scan3A_62 = arith.constant 0 : i32
    %scan3A_63 = arith.constant 16 : i32
    %scan3A_64 = arith.addi %scan3A_62, %scan3A_63 : i32
    %scan3A_65 = arith.constant 1 : i32
    scf.for %scan3A_90 = %scan3A_62 to %scan3A_64 step %scan3A_65  : i32 {
      %mul3A_91 = arith.constant 4 : i32
      %mul3A_92 = arith.muli %scan3A_90, %mul3A_91 : i32
      %add3A_93 = arith.constant 0 : i32
      %add3A_94 = arith.addi %mul3A_92, %add3A_93 : i32
      %mul3A_95 = arith.constant 8 : i32
      %mul3A_96 = arith.muli %add3A_94, %mul3A_95 : i32
      %dma_wait3A_97 = tpu.memref_slice %arg5[%mul3A_96] : memref<512xi32, #tpu.memory_space<vmem>> -> memref<8xi32, #tpu.memory_space<vmem>>
      %dma_wait3A_98 = arith.constant 0 : i32
      %dma_wait3A_99 = arith.constant 0 : i32
      %dma_wait3A_100 = tpu.memref_slice %arg2[%dma_wait3A_98, %dma_wait3A_99] : memref<16384x2048xf32, #tpu.memory_space<hbm>> -> memref<16384x2048xf32, #tpu.memory_space<hbm>>
      tpu.wait_indirect_dma semaphore(%arg10 : memref<!tpu.dma_semaphore, #tpu.memory_space<semaphore_mem>>) src(%dma_wait3A_100 : memref<16384x2048xf32, #tpu.memory_space<hbm>>) dst(%arg6 : memref<8x2048xf32, #tpu.memory_space<vmem>>)
      %mul3A_101 = arith.constant 8 : i32
      %mul3A_102 = arith.muli %add3A_94, %mul3A_101 : i32
      %add3A_103 = arith.addi %mul3A_2, %mul3A_102 : i32
      %dma_start3A_104 = arith.constant 0 : i32
      %dma_start3A_105 = tpu.memref_slice %arg4[%add3A_103, %dma_start3A_104] : memref<16384x2048xf32, #tpu.memory_space<hbm>> -> memref<8x2048xf32, #tpu.memory_space<hbm>>
      %dma_start3A_106 = arith.constant 0 : i32
      %dma_start3A_107 = tpu.memref_slice %arg4[%add3A_103, %dma_start3A_106] : memref<16384x2048xf32, #tpu.memory_space<hbm>> -> memref<8x2048xf32, #tpu.memory_space<hbm>>
      tpu.enqueue_dma source(%arg6 : memref<8x2048xf32, #tpu.memory_space<vmem>>) target(%dma_start3A_107 : memref<8x2048xf32, #tpu.memory_space<hbm>>) target_semaphore(%arg14 : memref<!tpu.dma_semaphore, #tpu.memory_space<semaphore_mem>>)
      %lt3A_108 = arith.constant 15 : i32
      %lt3A_109 = arith.cmpi slt, %scan3A_90, %lt3A_108 : i32
      %convert_element_type3A = arith.extui %lt3A_109 : i1 to i32
      %cond3A = arith.constant 0 : i32
      %cond3A_110 = arith.cmpi ne, %convert_element_type3A, %cond3A : i32
      scf.if %cond3A_110 {
        %mul3A_177 = arith.constant 8 : i32
        %mul3A_178 = arith.muli %add3A_94, %mul3A_177 : i32
        %add3A_179 = arith.addi %mul3A_2, %mul3A_178 : i32
        %dma_wait3A_180 = arith.constant 0 : i32
        %dma_wait3A_181 = tpu.memref_slice %arg4[%add3A_179, %dma_wait3A_180] : memref<16384x2048xf32, #tpu.memory_space<hbm>> -> memref<8x2048xf32, #tpu.memory_space<hbm>>
        %dma_wait3A_182 = arith.constant 0 : i32
        %dma_wait3A_183 = tpu.memref_slice %arg4[%add3A_179, %dma_wait3A_182] : memref<16384x2048xf32, #tpu.memory_space<hbm>> -> memref<8x2048xf32, #tpu.memory_space<hbm>>
        tpu.wait_dma2 semaphore(%arg14 : memref<!tpu.dma_semaphore, #tpu.memory_space<semaphore_mem>>) src(%arg6 : memref<8x2048xf32, #tpu.memory_space<vmem>>) dst(%dma_wait3A_183 : memref<8x2048xf32, #tpu.memory_space<hbm>>)
        %add3A_184 = arith.constant 4 : i32
        %add3A_185 = arith.addi %add3A_94, %add3A_184 : i32
        %mul3A_186 = arith.constant 8 : i32
        %mul3A_187 = arith.muli %add3A_185, %mul3A_186 : i32
        %dma_start3A_188 = tpu.memref_slice %arg5[%mul3A_187] : memref<512xi32, #tpu.memory_space<vmem>> -> memref<8xi32, #tpu.memory_space<vmem>>
        %dma_start3A_189 = arith.constant 0 : i32
        %dma_start3A_190 = arith.constant 0 : i32
        %dma_start3A_191 = tpu.memref_slice %arg2[%dma_start3A_189, %dma_start3A_190] : memref<16384x2048xf32, #tpu.memory_space<hbm>> -> memref<16384x2048xf32, #tpu.memory_space<hbm>>
        tpu.enqueue_indirect_dma source(%dma_start3A_191 : memref<16384x2048xf32, #tpu.memory_space<hbm>>) target(%arg6 : memref<8x2048xf32, #tpu.memory_space<vmem>>) offsets(%dma_start3A_188 : memref<8xi32, #tpu.memory_space<vmem>>) semaphore(%arg10 : memref<!tpu.dma_semaphore, #tpu.memory_space<semaphore_mem>>)
      } else {
      }
      %mul3A_111 = arith.constant 4 : i32
      %mul3A_112 = arith.muli %scan3A_90, %mul3A_111 : i32
      %add3A_113 = arith.constant 1 : i32
      %add3A_114 = arith.addi %mul3A_112, %add3A_113 : i32
      %mul3A_115 = arith.constant 8 : i32
      %mul3A_116 = arith.muli %add3A_114, %mul3A_115 : i32
      %dma_wait3A_117 = tpu.memref_slice %arg5[%mul3A_116] : memref<512xi32, #tpu.memory_space<vmem>> -> memref<8xi32, #tpu.memory_space<vmem>>
      %dma_wait3A_118 = arith.constant 0 : i32
      %dma_wait3A_119 = arith.constant 0 : i32
      %dma_wait3A_120 = tpu.memref_slice %arg2[%dma_wait3A_118, %dma_wait3A_119] : memref<16384x2048xf32, #tpu.memory_space<hbm>> -> memref<16384x2048xf32, #tpu.memory_space<hbm>>
      tpu.wait_indirect_dma semaphore(%arg11 : memref<!tpu.dma_semaphore, #tpu.memory_space<semaphore_mem>>) src(%dma_wait3A_120 : memref<16384x2048xf32, #tpu.memory_space<hbm>>) dst(%arg7 : memref<8x2048xf32, #tpu.memory_space<vmem>>)
      %mul3A_121 = arith.constant 8 : i32
      %mul3A_122 = arith.muli %add3A_114, %mul3A_121 : i32
      %add3A_123 = arith.addi %mul3A_2, %mul3A_122 : i32
      %dma_start3A_124 = arith.constant 0 : i32
      %dma_start3A_125 = tpu.memref_slice %arg4[%add3A_123, %dma_start3A_124] : memref<16384x2048xf32, #tpu.memory_space<hbm>> -> memref<8x2048xf32, #tpu.memory_space<hbm>>
      %dma_start3A_126 = arith.constant 0 : i32
      %dma_start3A_127 = tpu.memref_slice %arg4[%add3A_123, %dma_start3A_126] : memref<16384x2048xf32, #tpu.memory_space<hbm>> -> memref<8x2048xf32, #tpu.memory_space<hbm>>
      tpu.enqueue_dma source(%arg7 : memref<8x2048xf32, #tpu.memory_space<vmem>>) target(%dma_start3A_127 : memref<8x2048xf32, #tpu.memory_space<hbm>>) target_semaphore(%arg15 : memref<!tpu.dma_semaphore, #tpu.memory_space<semaphore_mem>>)
      %lt3A_128 = arith.constant 15 : i32
      %lt3A_129 = arith.cmpi slt, %scan3A_90, %lt3A_128 : i32
      %convert_element_type3A_130 = arith.extui %lt3A_129 : i1 to i32
      %cond3A_131 = arith.constant 0 : i32
      %cond3A_132 = arith.cmpi ne, %convert_element_type3A_130, %cond3A_131 : i32
      scf.if %cond3A_132 {
        %mul3A_177 = arith.constant 8 : i32
        %mul3A_178 = arith.muli %add3A_114, %mul3A_177 : i32
        %add3A_179 = arith.addi %mul3A_2, %mul3A_178 : i32
        %dma_wait3A_180 = arith.constant 0 : i32
        %dma_wait3A_181 = tpu.memref_slice %arg4[%add3A_179, %dma_wait3A_180] : memref<16384x2048xf32, #tpu.memory_space<hbm>> -> memref<8x2048xf32, #tpu.memory_space<hbm>>
        %dma_wait3A_182 = arith.constant 0 : i32
        %dma_wait3A_183 = tpu.memref_slice %arg4[%add3A_179, %dma_wait3A_182] : memref<16384x2048xf32, #tpu.memory_space<hbm>> -> memref<8x2048xf32, #tpu.memory_space<hbm>>
        tpu.wait_dma2 semaphore(%arg15 : memref<!tpu.dma_semaphore, #tpu.memory_space<semaphore_mem>>) src(%arg7 : memref<8x2048xf32, #tpu.memory_space<vmem>>) dst(%dma_wait3A_183 : memref<8x2048xf32, #tpu.memory_space<hbm>>)
        %add3A_184 = arith.constant 4 : i32
        %add3A_185 = arith.addi %add3A_114, %add3A_184 : i32
        %mul3A_186 = arith.constant 8 : i32
        %mul3A_187 = arith.muli %add3A_185, %mul3A_186 : i32
        %dma_start3A_188 = tpu.memref_slice %arg5[%mul3A_187] : memref<512xi32, #tpu.memory_space<vmem>> -> memref<8xi32, #tpu.memory_space<vmem>>
        %dma_start3A_189 = arith.constant 0 : i32
        %dma_start3A_190 = arith.constant 0 : i32
        %dma_start3A_191 = tpu.memref_slice %arg2[%dma_start3A_189, %dma_start3A_190] : memref<16384x2048xf32, #tpu.memory_space<hbm>> -> memref<16384x2048xf32, #tpu.memory_space<hbm>>
        tpu.enqueue_indirect_dma source(%dma_start3A_191 : memref<16384x2048xf32, #tpu.memory_space<hbm>>) target(%arg7 : memref<8x2048xf32, #tpu.memory_space<vmem>>) offsets(%dma_start3A_188 : memref<8xi32, #tpu.memory_space<vmem>>) semaphore(%arg11 : memref<!tpu.dma_semaphore, #tpu.memory_space<semaphore_mem>>)
      } else {
      }
      %mul3A_133 = arith.constant 4 : i32
      %mul3A_134 = arith.muli %scan3A_90, %mul3A_133 : i32
      %add3A_135 = arith.constant 2 : i32
      %add3A_136 = arith.addi %mul3A_134, %add3A_135 : i32
      %mul3A_137 = arith.constant 8 : i32
      %mul3A_138 = arith.muli %add3A_136, %mul3A_137 : i32
      %dma_wait3A_139 = tpu.memref_slice %arg5[%mul3A_138] : memref<512xi32, #tpu.memory_space<vmem>> -> memref<8xi32, #tpu.memory_space<vmem>>
      %dma_wait3A_140 = arith.constant 0 : i32
      %dma_wait3A_141 = arith.constant 0 : i32
      %dma_wait3A_142 = tpu.memref_slice %arg2[%dma_wait3A_140, %dma_wait3A_141] : memref<16384x2048xf32, #tpu.memory_space<hbm>> -> memref<16384x2048xf32, #tpu.memory_space<hbm>>
      tpu.wait_indirect_dma semaphore(%arg12 : memref<!tpu.dma_semaphore, #tpu.memory_space<semaphore_mem>>) src(%dma_wait3A_142 : memref<16384x2048xf32, #tpu.memory_space<hbm>>) dst(%arg8 : memref<8x2048xf32, #tpu.memory_space<vmem>>)
      %mul3A_143 = arith.constant 8 : i32
      %mul3A_144 = arith.muli %add3A_136, %mul3A_143 : i32
      %add3A_145 = arith.addi %mul3A_2, %mul3A_144 : i32
      %dma_start3A_146 = arith.constant 0 : i32
      %dma_start3A_147 = tpu.memref_slice %arg4[%add3A_145, %dma_start3A_146] : memref<16384x2048xf32, #tpu.memory_space<hbm>> -> memref<8x2048xf32, #tpu.memory_space<hbm>>
      %dma_start3A_148 = arith.constant 0 : i32
      %dma_start3A_149 = tpu.memref_slice %arg4[%add3A_145, %dma_start3A_148] : memref<16384x2048xf32, #tpu.memory_space<hbm>> -> memref<8x2048xf32, #tpu.memory_space<hbm>>
      tpu.enqueue_dma source(%arg8 : memref<8x2048xf32, #tpu.memory_space<vmem>>) target(%dma_start3A_149 : memref<8x2048xf32, #tpu.memory_space<hbm>>) target_semaphore(%arg16 : memref<!tpu.dma_semaphore, #tpu.memory_space<semaphore_mem>>)
      %lt3A_150 = arith.constant 15 : i32
      %lt3A_151 = arith.cmpi slt, %scan3A_90, %lt3A_150 : i32
      %convert_element_type3A_152 = arith.extui %lt3A_151 : i1 to i32
      %cond3A_153 = arith.constant 0 : i32
      %cond3A_154 = arith.cmpi ne, %convert_element_type3A_152, %cond3A_153 : i32
      scf.if %cond3A_154 {
        %mul3A_177 = arith.constant 8 : i32
        %mul3A_178 = arith.muli %add3A_136, %mul3A_177 : i32
        %add3A_179 = arith.addi %mul3A_2, %mul3A_178 : i32
        %dma_wait3A_180 = arith.constant 0 : i32
        %dma_wait3A_181 = tpu.memref_slice %arg4[%add3A_179, %dma_wait3A_180] : memref<16384x2048xf32, #tpu.memory_space<hbm>> -> memref<8x2048xf32, #tpu.memory_space<hbm>>
        %dma_wait3A_182 = arith.constant 0 : i32
        %dma_wait3A_183 = tpu.memref_slice %arg4[%add3A_179, %dma_wait3A_182] : memref<16384x2048xf32, #tpu.memory_space<hbm>> -> memref<8x2048xf32, #tpu.memory_space<hbm>>
        tpu.wait_dma2 semaphore(%arg16 : memref<!tpu.dma_semaphore, #tpu.memory_space<semaphore_mem>>) src(%arg8 : memref<8x2048xf32, #tpu.memory_space<vmem>>) dst(%dma_wait3A_183 : memref<8x2048xf32, #tpu.memory_space<hbm>>)
        %add3A_184 = arith.constant 4 : i32
        %add3A_185 = arith.addi %add3A_136, %add3A_184 : i32
        %mul3A_186 = arith.constant 8 : i32
        %mul3A_187 = arith.muli %add3A_185, %mul3A_186 : i32
        %dma_start3A_188 = tpu.memref_slice %arg5[%mul3A_187] : memref<512xi32, #tpu.memory_space<vmem>> -> memref<8xi32, #tpu.memory_space<vmem>>
        %dma_start3A_189 = arith.constant 0 : i32
        %dma_start3A_190 = arith.constant 0 : i32
        %dma_start3A_191 = tpu.memref_slice %arg2[%dma_start3A_189, %dma_start3A_190] : memref<16384x2048xf32, #tpu.memory_space<hbm>> -> memref<16384x2048xf32, #tpu.memory_space<hbm>>
        tpu.enqueue_indirect_dma source(%dma_start3A_191 : memref<16384x2048xf32, #tpu.memory_space<hbm>>) target(%arg8 : memref<8x2048xf32, #tpu.memory_space<vmem>>) offsets(%dma_start3A_188 : memref<8xi32, #tpu.memory_space<vmem>>) semaphore(%arg12 : memref<!tpu.dma_semaphore, #tpu.memory_space<semaphore_mem>>)
      } else {
      }
      %mul3A_155 = arith.constant 4 : i32
      %mul3A_156 = arith.muli %scan3A_90, %mul3A_155 : i32
      %add3A_157 = arith.constant 3 : i32
      %add3A_158 = arith.addi %mul3A_156, %add3A_157 : i32
      %mul3A_159 = arith.constant 8 : i32
      %mul3A_160 = arith.muli %add3A_158, %mul3A_159 : i32
      %dma_wait3A_161 = tpu.memref_slice %arg5[%mul3A_160] : memref<512xi32, #tpu.memory_space<vmem>> -> memref<8xi32, #tpu.memory_space<vmem>>
      %dma_wait3A_162 = arith.constant 0 : i32
      %dma_wait3A_163 = arith.constant 0 : i32
      %dma_wait3A_164 = tpu.memref_slice %arg2[%dma_wait3A_162, %dma_wait3A_163] : memref<16384x2048xf32, #tpu.memory_space<hbm>> -> memref<16384x2048xf32, #tpu.memory_space<hbm>>
      tpu.wait_indirect_dma semaphore(%arg13 : memref<!tpu.dma_semaphore, #tpu.memory_space<semaphore_mem>>) src(%dma_wait3A_164 : memref<16384x2048xf32, #tpu.memory_space<hbm>>) dst(%arg9 : memref<8x2048xf32, #tpu.memory_space<vmem>>)
      %mul3A_165 = arith.constant 8 : i32
      %mul3A_166 = arith.muli %add3A_158, %mul3A_165 : i32
      %add3A_167 = arith.addi %mul3A_2, %mul3A_166 : i32
      %dma_start3A_168 = arith.constant 0 : i32
      %dma_start3A_169 = tpu.memref_slice %arg4[%add3A_167, %dma_start3A_168] : memref<16384x2048xf32, #tpu.memory_space<hbm>> -> memref<8x2048xf32, #tpu.memory_space<hbm>>
      %dma_start3A_170 = arith.constant 0 : i32
      %dma_start3A_171 = tpu.memref_slice %arg4[%add3A_167, %dma_start3A_170] : memref<16384x2048xf32, #tpu.memory_space<hbm>> -> memref<8x2048xf32, #tpu.memory_space<hbm>>
      tpu.enqueue_dma source(%arg9 : memref<8x2048xf32, #tpu.memory_space<vmem>>) target(%dma_start3A_171 : memref<8x2048xf32, #tpu.memory_space<hbm>>) target_semaphore(%arg17 : memref<!tpu.dma_semaphore, #tpu.memory_space<semaphore_mem>>)
      %lt3A_172 = arith.constant 15 : i32
      %lt3A_173 = arith.cmpi slt, %scan3A_90, %lt3A_172 : i32
      %convert_element_type3A_174 = arith.extui %lt3A_173 : i1 to i32
      %cond3A_175 = arith.constant 0 : i32
      %cond3A_176 = arith.cmpi ne, %convert_element_type3A_174, %cond3A_175 : i32
      scf.if %cond3A_176 {
        %mul3A_177 = arith.constant 8 : i32
        %mul3A_178 = arith.muli %add3A_158, %mul3A_177 : i32
        %add3A_179 = arith.addi %mul3A_2, %mul3A_178 : i32
        %dma_wait3A_180 = arith.constant 0 : i32
        %dma_wait3A_181 = tpu.memref_slice %arg4[%add3A_179, %dma_wait3A_180] : memref<16384x2048xf32, #tpu.memory_space<hbm>> -> memref<8x2048xf32, #tpu.memory_space<hbm>>
        %dma_wait3A_182 = arith.constant 0 : i32
        %dma_wait3A_183 = tpu.memref_slice %arg4[%add3A_179, %dma_wait3A_182] : memref<16384x2048xf32, #tpu.memory_space<hbm>> -> memref<8x2048xf32, #tpu.memory_space<hbm>>
        tpu.wait_dma2 semaphore(%arg17 : memref<!tpu.dma_semaphore, #tpu.memory_space<semaphore_mem>>) src(%arg9 : memref<8x2048xf32, #tpu.memory_space<vmem>>) dst(%dma_wait3A_183 : memref<8x2048xf32, #tpu.memory_space<hbm>>)
        %add3A_184 = arith.constant 4 : i32
        %add3A_185 = arith.addi %add3A_158, %add3A_184 : i32
        %mul3A_186 = arith.constant 8 : i32
        %mul3A_187 = arith.muli %add3A_185, %mul3A_186 : i32
        %dma_start3A_188 = tpu.memref_slice %arg5[%mul3A_187] : memref<512xi32, #tpu.memory_space<vmem>> -> memref<8xi32, #tpu.memory_space<vmem>>
        %dma_start3A_189 = arith.constant 0 : i32
        %dma_start3A_190 = arith.constant 0 : i32
        %dma_start3A_191 = tpu.memref_slice %arg2[%dma_start3A_189, %dma_start3A_190] : memref<16384x2048xf32, #tpu.memory_space<hbm>> -> memref<16384x2048xf32, #tpu.memory_space<hbm>>
        tpu.enqueue_indirect_dma source(%dma_start3A_191 : memref<16384x2048xf32, #tpu.memory_space<hbm>>) target(%arg9 : memref<8x2048xf32, #tpu.memory_space<vmem>>) offsets(%dma_start3A_188 : memref<8xi32, #tpu.memory_space<vmem>>) semaphore(%arg13 : memref<!tpu.dma_semaphore, #tpu.memory_space<semaphore_mem>>)
      } else {
      }
    }
    %scan3A_66 = arith.constant 16 : i32
    %add3A_67 = arith.constant 480 : i32
    %add3A_68 = arith.addi %mul3A_2, %add3A_67 : i32
    %dma_wait3A = arith.constant 0 : i32
    %dma_wait3A_69 = tpu.memref_slice %arg4[%add3A_68, %dma_wait3A] : memref<16384x2048xf32, #tpu.memory_space<hbm>> -> memref<8x2048xf32, #tpu.memory_space<hbm>>
    %dma_wait3A_70 = arith.constant 0 : i32
    %dma_wait3A_71 = tpu.memref_slice %arg4[%add3A_68, %dma_wait3A_70] : memref<16384x2048xf32, #tpu.memory_space<hbm>> -> memref<8x2048xf32, #tpu.memory_space<hbm>>
    tpu.wait_dma2 semaphore(%arg14 : memref<!tpu.dma_semaphore, #tpu.memory_space<semaphore_mem>>) src(%arg6 : memref<8x2048xf32, #tpu.memory_space<vmem>>) dst(%dma_wait3A_71 : memref<8x2048xf32, #tpu.memory_space<hbm>>)
    %add3A_72 = arith.constant 488 : i32
    %add3A_73 = arith.addi %mul3A_2, %add3A_72 : i32
    %dma_wait3A_74 = arith.constant 0 : i32
    %dma_wait3A_75 = tpu.memref_slice %arg4[%add3A_73, %dma_wait3A_74] : memref<16384x2048xf32, #tpu.memory_space<hbm>> -> memref<8x2048xf32, #tpu.memory_space<hbm>>
    %dma_wait3A_76 = arith.constant 0 : i32
    %dma_wait3A_77 = tpu.memref_slice %arg4[%add3A_73, %dma_wait3A_76] : memref<16384x2048xf32, #tpu.memory_space<hbm>> -> memref<8x2048xf32, #tpu.memory_space<hbm>>
    tpu.wait_dma2 semaphore(%arg15 : memref<!tpu.dma_semaphore, #tpu.memory_space<semaphore_mem>>) src(%arg7 : memref<8x2048xf32, #tpu.memory_space<vmem>>) dst(%dma_wait3A_77 : memref<8x2048xf32, #tpu.memory_space<hbm>>)
    %add3A_78 = arith.constant 496 : i32
    %add3A_79 = arith.addi %mul3A_2, %add3A_78 : i32
    %dma_wait3A_80 = arith.constant 0 : i32
    %dma_wait3A_81 = tpu.memref_slice %arg4[%add3A_79, %dma_wait3A_80] : memref<16384x2048xf32, #tpu.memory_space<hbm>> -> memref<8x2048xf32, #tpu.memory_space<hbm>>
    %dma_wait3A_82 = arith.constant 0 : i32
    %dma_wait3A_83 = tpu.memref_slice %arg4[%add3A_79, %dma_wait3A_82] : memref<16384x2048xf32, #tpu.memory_space<hbm>> -> memref<8x2048xf32, #tpu.memory_space<hbm>>
    tpu.wait_dma2 semaphore(%arg16 : memref<!tpu.dma_semaphore, #tpu.memory_space<semaphore_mem>>) src(%arg8 : memref<8x2048xf32, #tpu.memory_space<vmem>>) dst(%dma_wait3A_83 : memref<8x2048xf32, #tpu.memory_space<hbm>>)
    %add3A_84 = arith.constant 504 : i32
    %add3A_85 = arith.addi %mul3A_2, %add3A_84 : i32
    %dma_wait3A_86 = arith.constant 0 : i32
    %dma_wait3A_87 = tpu.memref_slice %arg4[%add3A_85, %dma_wait3A_86] : memref<16384x2048xf32, #tpu.memory_space<hbm>> -> memref<8x2048xf32, #tpu.memory_space<hbm>>
    %dma_wait3A_88 = arith.constant 0 : i32
    %dma_wait3A_89 = tpu.memref_slice %arg4[%add3A_85, %dma_wait3A_88] : memref<16384x2048xf32, #tpu.memory_space<hbm>> -> memref<8x2048xf32, #tpu.memory_space<hbm>>
    tpu.wait_dma2 semaphore(%arg17 : memref<!tpu.dma_semaphore, #tpu.memory_space<semaphore_mem>>) src(%arg9 : memref<8x2048xf32, #tpu.memory_space<vmem>>) dst(%dma_wait3A_89 : memref<8x2048xf32, #tpu.memory_space<hbm>>)
    return
  }
}

</mosaic_0001>

<sc_bundles>
// kernel: kernel.3.cloned.1.call-start
scs
__scs_entry_jumppad:
0x0: {  	(pc) =	sbr.rel $0x88, $3  }
0x1: {  	(tag) =	ssettag $0x0;
	lr =	simm.s32 $0x1  }
0x2: {  	[smem:$0x3F9F] =	sst lr;
	_ =	strace $0xD0000000  }
0x3: {  	_ = 	snop  }
0x4: {  	_ = 	snop  }
0x5: {  	_ = 	snop  }
0x6: {  	_ = 	snop  }
0x7: {  	_ = 	snop  }
__scs_overlays_trampoline_lowered:
0x8: {  	[smem:$0x3FAE] =	sst s0  }
0x9: {  	[smem:$0x3FAF] =	sst s1  }
0xa: {  	[smem:$0x3FB0] =	sst s2  }
0xb: {  	[smem:$0x3FB1] =	sst s3  }
0xc: {  	[smem:$0x3FB2] =	sst s4  }
0xd: {  	[smem:$0x3FB3] =	sst s5  }
0xe: {  	[smem:$0x3FB4] =	sst s6  }
0xf: {  	[smem:$0x3FB5] =	sst s7  }
0x10: {  	[smem:$0x3FB6] =	sst s8  }
0x11: {  	[smem:$0x3FB7] =	sst s9;
	s0 =	simm.s32 @!p0 $0x0  }
0x12: {  	s1 =	sld [smem:$0x3F9D];
	s0 =	simm.s32 @p0 $0x1  }
0x13: {  	[smem:$0x3FB8] =	sst s0;
	s0 =	simm.s32 @!p1 $0x0  }
0x14: {  	s2 =	sld [smem:$0x3F9C];
	s0 =	simm.s32 @p1 $0x1  }
0x15: {  	[smem:$0x3FB9] =	sst s0;
	s0 =	simm.s32 @!p2 $0x0  }
0x16: {  	s3 =	sld [smem:$0x3FDB];
	s0 =	simm.s32 @p2 $0x1  }
0x17: {  	s4 =	simm.s32 $0x1BF5;
	[smem:$0x3FBB] =	sst s0  }
0x18: {  	s0 =	sld [smem:$0x3F9E];
	_ =	swait.ge [sflag:s4], $0x0  }
0x19: {  	s7 =	sld [smem:$0x3F9F]  }
0x1a: {  	s8 =	sadd.s32 $0xFFFFE003, lr  }
0x1b: {  	s9 =	sadd.s32 $0xFFFFFEF7, lr;
	s5 =	simm.s32 $0xFFFFFFFF;
	p2 =	slt.u32 s8, $0xFFFFF086  }
0x1c: {  	p1 =	slt.u32 s9, $0xF7A;
	s5 =	simm.s32 @!p2 $0x0  }
0x1d: {  	s5 =	simm.s32 @p1 $0x1;
	p0 =	seq.s32 s7, s2  }
0x1e: {  	s7 =	smul.u32 @!p0 $0xF7A, s2;
	p2 =	seq.s32 @!p0 s5, $0x0  }
0x1f: {  	s9 =	smul.u32 $0xF7A, s1;
	s8 =	simm.s32 @!p0 $0x1BF5;
	p2 =	por !p2, p0  }
0x20: {  	[sflag:s8] =	ssyncset.s32 @!p0 $0xFFFFF086;
	s6 =	sadd.s32 @!p0 s3, s7;
	s7 =	simm.s32 @!p0 $0x108  }
0x21: {  	s3 =	sadd.s32 s3, s9;
	s6 =	sadd.s32 @!p0 $0x88, s6;
	s7 =	simm.s32 @p2 $0x1082  }
0x22: {  	[simem:s7], [sflag:s8] =	dma.local @!p0 [hbm:s6], $0xF7A  }
0x23: {  	s9 =	sor.u32 $0xD0000000, s2;
	s6 =	simm.s32 $0x108;
	_ =	swait.ge @!p0 [sflag:s8], $0x0  }
0x24: {  	s3 =	sadd.s32 $0x88, s3;
	s6 =	simm.s32 @!p1 $0x1082;
	[sflag:s4] =	ssyncset.s32 $0xFFFFF086  }
0x25: {  	[simem:s6], [sflag:s4] =	dma.local [hbm:s3], $0xF7A  }
0x26: {  	[smem:$0x3F9F] =	sst s1;
	(tag) =	ssettag s2;
	_ =	strace s9  }
0x27: {  	s1 =	sld [smem:$0x3FAF]  }
0x28: {  	s2 =	sld [smem:$0x3FB0]  }
0x29: {  	s4 =	sld [smem:$0x3FB2]  }
0x2a: {  	p0 =	seq.s32 s5, $0x0;
	s5 =	sld [smem:$0x3FB3]  }
0x2b: {  	s6 =	sld [smem:$0x3FB4]  }
0x2c: {  	s7 =	sld [smem:$0x3FB5]  }
0x2d: {  	s3 =	simm.s32 $0x108;
	s8 =	sld [smem:$0x3FB6]  }
0x2e: {  	s3 =	simm.s32 @!p0 $0x1082;
	s9 =	sld [smem:$0x3FB7]  }
0x2f: {  	lr =	sadd.s32 s0, s3;
	s0 =	sld [smem:$0x3FAE]  }
0x30: {  	s3 =	sld [smem:$0x3FB1]  }
0x31: {  	[smem:$0x3FBA] =	sst s10  }
0x32: {  	s10 =	sld [smem:$0x3FB8];
	_ =	sdelay $0x3  }
0x33: {  	p0 =	seq.s32 s10, $0x1;
	s10 =	sld [smem:$0x3FBA];
	_ =	sdelay $0x3  }
0x34: {  	[smem:$0x3FBA] =	sst s10  }
0x35: {  	s10 =	sld [smem:$0x3FB9];
	_ =	sdelay $0x3  }
0x36: {  	p1 =	seq.s32 s10, $0x1;
	s10 =	sld [smem:$0x3FBA];
	_ =	sdelay $0x3  }
0x37: {  	[smem:$0x3FBA] =	sst s10  }
0x38: {  	s10 =	sld [smem:$0x3FBB]  }
0x39: {  	_ = 	snop;
	(pc) =	sbr.ind lr, $3  }
0x3a: {  	_ = 	snop  }
0x3b: {  	_ = 	snop  }
0x3c: {  	p2 =	seq.s32 s10, $0x1;
	s10 =	sld [smem:$0x3FBA]  }
0x3d: {  	_ =	shalt  }
0x3e: {  	_ =	shalt  }
0x3f: {  	_ =	shalt  }
0x40: {  	_ =	shalt  }
0x41: {  	_ =	shalt  }
0x42: {  	_ =	shalt  }
0x43: {  	_ =	shalt  }
0x44: {  	_ =	shalt  }
0x45: {  	_ =	shalt  }
0x46: {  	_ =	shalt  }
0x47: {  	_ =	shalt  }
0x48: {  	_ =	shalt  }
0x49: {  	_ =	shalt  }
0x4a: {  	_ =	shalt  }
0x4b: {  	_ =	shalt  }
0x4c: {  	_ =	shalt  }
0x4d: {  	_ =	shalt  }
0x4e: {  	_ =	shalt  }
0x4f: {  	_ =	shalt  }
0x50: {  	_ =	shalt  }
0x51: {  	_ =	shalt  }
0x52: {  	_ =	shalt  }
0x53: {  	_ =	shalt  }
0x54: {  	_ =	shalt  }
0x55: {  	_ =	shalt  }
0x56: {  	_ =	shalt  }
0x57: {  	_ =	shalt  }
0x58: {  	_ =	shalt  }
0x59: {  	_ =	shalt  }
0x5a: {  	_ =	shalt  }
0x5b: {  	_ =	shalt  }
0x5c: {  	_ =	shalt  }
0x5d: {  	_ =	shalt  }
0x5e: {  	_ =	shalt  }
0x5f: {  	_ =	shalt  }
0x60: {  	_ =	shalt  }
0x61: {  	_ =	shalt  }
0x62: {  	_ =	shalt  }
0x63: {  	_ =	shalt  }
0x64: {  	_ =	shalt  }
0x65: {  	_ =	shalt  }
0x66: {  	_ =	shalt  }
0x67: {  	_ =	shalt  }
0x68: {  	_ =	shalt  }
0x69: {  	_ =	shalt  }
0x6a: {  	_ =	shalt  }
0x6b: {  	_ =	shalt  }
0x6c: {  	_ =	shalt  }
0x6d: {  	_ =	shalt  }
0x6e: {  	_ =	shalt  }
0x6f: {  	_ =	shalt  }
0x70: {  	_ =	shalt  }
0x71: {  	_ =	shalt  }
0x72: {  	_ =	shalt  }
0x73: {  	_ =	shalt  }
0x74: {  	_ =	shalt  }
0x75: {  	_ =	shalt  }
0x76: {  	_ =	shalt  }
0x77: {  	_ =	shalt  }
0x78: {  	_ =	shalt  }
0x79: {  	_ =	shalt  }
0x7a: {  	_ =	shalt  }
0x7b: {  	_ =	shalt  }
0x7c: {  	_ =	shalt  }
0x7d: {  	_ =	shalt  }
0x7e: {  	_ =	shalt  }
0x7f: {  	_ =	shalt  }
0x80: {  	_ =	shalt  }
0x81: {  	_ =	shalt  }
0x82: {  	_ =	shalt  }
0x83: {  	_ =	shalt  }
0x84: {  	_ =	shalt  }
0x85: {  	_ =	shalt  }
0x86: {  	_ =	shalt  }
0x87: {  	_ =	shalt  }
.Lfunc_end0:
.L_simem_size_0:
called_computation_lowered:
.L_overlay_start_0:
0x88: {  	s2 =	sld [smem:$0x3FD9]  }
0x89: {  	s3 =	sld [smem:$0x3FFE];
	_ =	sdelay $0x1  }
0x8a: {  	s1 =	srdreg.scid  }
0x8b: {  	s0 =	sand.u32 $0x1, s1  }
0x8c: {  	s18 =	sshll.u32 s0, $0xA;
	s2 =	sadd.s32 s3, s2  }
0x8d: {  	s2 =	sadd.s32 s2, s18  }
0x8e: {  	[smem:$0x3FC6] =	sst s2  }
0x8f: {  	_ = 	snop  }
0x90: {  	s2 =	sld [smem:$0x3FC9]  }
0x91: {  	s19 =	sld [smem:$0x3FC8]  }
0x92: {  	s4 =	sld [smem:$0x3FD0];
	(tm) =	ssettm $0x1  }
0x93: {  	s5 =	sld [smem:$0x3FFB];
	_ =	sdelay $0x3  }
0x94: {  	_ =	strace s5  }
0x95: {  	s5 =	sld [smem:$0x3FFC];
	_ =	sdelay $0x3  }
0x96: {  	_ =	strace s5  }
0x97: {  	s5 =	sld [smem:$0x3FFD];
	_ =	sdelay $0x3  }
0x98: {  	_ =	strace s5  }
0x99: {  	_ =	strace $0x8FFFFFFF  }
0x9a: {  	s20 =	sld [smem:$0x3FDB];
	_ =	sdelay $0x1  }
0x9b: {  	s6 =	simm.s32 $_scs_section_size  }
0x9c: {  	s7 =	simm.s32 $_size__tile_overlayer_lowered;
	s8 =	simm.s32 $_tile_overlayer_lowered  }
0x9d: {  	s23 =	simm.s32 $0x1BFF;
	s22 =	sshll.u32 s8, $0x1;
	s5 =	sadd.s32 s6, s20  }
0x9e: {  	s9 =	simm.s32 $0x0;
	s21 =	sshll.u32 s7, $0x1;
	s7 =	sadd.s32 s22, s5  }
0x9f: {  	[timem:s9], [sflag:s23] =	dma.local [hbm:s7], s21  }
0xa0: {  	_ =	swait.ge [sflag:s23], s21  }
0xa1: {  	s6 =	ssub.s32 $0x0, s21;
	[sflag:s23] =	ssyncset.done $0x0  }
0xa2: {  	[sflag:s23] =	ssyncadd.s32 s6;
	_ =	sdelay $0x1  }
0xa3: {  	s24 =	simm.s32 $0x1B8B  }
0xa4: {  	_ =	swait.ge [sflag:s24], $0x1  }
0xa5: {  	[sflag:s24] =	ssyncset.done $0x0  }
0xa6: {  	s25 =	simm.s32 $0x1B8E;
	[sflag:s24] =	ssyncadd.s32 $0xFFFFFFFF  }
0xa7: {  	s26 =	simm.s32 $execute0_lowered;
	[smem:$0x3FD2] =	sst s25  }
0xa8: {  	s6 =	sshll.u32 s26, $0x1;
	_ =	strace $0x80000046;
	[dreg:$0x1] =	wrdreg $0xFFFFFFFF  }
0xa9: {  	s28 =	simm.s32 $_size_execute0_lowered;
	s5 =	sadd.s32 s5, s6;
	[dreg:$0x0] =	wrdreg $0x0  }
0xaa: {  	s6 =	sshll.u32 s28, $0x1;
	[dreg:$0x2] =	wrdreg s5  }
0xab: {  	[dreg:$0x3] =	wrdreg s6  }
0xac: {  	[dreg:$0x4] =	wrdreg $0xC0  }
0xad: {  	_ =	task [dreg:s9], $0x5FFFF  }
0xae: {  	[dreg:$0x1] =	wrdreg $0xFFFFFFFF  }
0xaf: {  	[dreg:$0x0] =	wrdreg $0x60  }
0xb0: {  	[dreg:$0x2] =	wrdreg s2  }
0xb1: {  	[dreg:$0x3] =	wrdreg s19  }
0xb2: {  	[dreg:$0x4] =	wrdreg s4  }
0xb3: {  	[dreg:$0x5] =	wrdreg $0x9  }
0xb4: {  	_ =	task.clear_ibuf [dreg:s9], $0x6FFFF;
	_ =	strace $0x90000046  }
0xb5: {  	s29 =	simm.s32 $0x9;
	_ =	strace $0x80000048  }
0xb6: {  	_ =	swait.ge [sflag:s29], $0x1  }
0xb7: {  	[sflag:s29] =	ssyncadd.s32 $0xFFFFFFFF  }
0xb8: {  	_ =	strace $0x90000048  }
0xb9: {  	_ =	sfence  }
0xba: {  	s30 =	sld [smem:$0x0];
	_ =	sdelay $0x2  }
0xbb: {  	s31 =	sshll.u32 s1, $0xD;
	s1 =	sshrl.u32 s1, $0x2  }
0xbc: {  	s3 =	sand.u32 $0x4000, s31;
	s1 =	sadd.s32 s1, s30  }
0xbd: {  	s0 =	sor.u32 s3, s0;
	s1 =	sshll.u32 s1, $0x11  }
0xbe: {  	s0 =	sor.u32 s1, s0  }
0xbf: {  	s0 =	sadd.s32 $0x8F2B, s0  }
0xc0: {  	[sflag:s0] =	ssyncadd.remote.s32 $0x1  }
0xc1: {  	_ =	sfence.sel $0xFFFF  }
0xc2: {  	[dreg:$0x0] =	wrdreg $0xFFFFFFFF;
	(pc) =	sbr.abs _section_cstart, $3  }
0xc3: {  	[dreg:$0x1] =	wrdreg $0xFFFFFFFF  }
0xc4: {  	_ =	task.clear_ibuf [dreg:s9], $0x2FFFF;
	_ =	strace $0x9FFFFFFF  }
0xc5: {  	(tm) =	ssettm $0x7FFFFFFF  }
tec
execute0_lowered:
.L_overlay_start_1:
0x0: {  	(tag) =	ssettag $0x1  }
0x1: {  	s1 =	rddreg [dreg:$0x0]  }
0x2: {  	s0 =	rddreg [dreg:$0x1]  }
0x3: {  	s2 =	rddreg [dreg:$0x2]  }
0x4: {  	s4 =	srdreg.scid;
	s3 =	simm.s32 $0x0;
	s10 =	stileid.u32  }
0x5: {  	s15 =	simm.s32 $0x200;
	s22 =	simm.s32 $0xC200;
	s28 =	simm.s32 $0xE200  }
0x6: {  	s29 =	simm.s32 $0xEA00;
	s30 =	simm.s32 $0xF200;
	s31 =	simm.s32 $0xFA00  }
0x7: {  	s16 =	simm.s32 $0x2;
	s17 =	simm.s32 $0x3;
	s18 =	simm.s32 $0x4  }
0x8: {  	s4 =	sand.u32 $0x1, s4;
	[smem:$0x7FF] =	sst s3;
	s5 =	sshll.u32 s10, $0x7  }
0x9: {  	s8 =	sshll.u32 s10, $0xA;
	s9 =	sadd.s32 $0x500, s1;
	s24 =	sshll.u32 s10, $0x12  }
0xa: {  	s10 =	sadd.s32 $0x600, s1;
	s11 =	sadd.s32 $0x700, s1;
	s6 =	sshll.u32 s4, $0x6  }
0xb: {  	_ =	strace $0x80000047;
	s7 =	ssub.s32 $0x2, s4;
	s14 =	sand.u32 $0x3000, s8  }
0xc: {  	s8 =	sadd.s32 $0x400, s1;
	s25 =	sshll.u32 s4, $0x11;
	s4 =	simm.s32 $0x8  }
0xd: {  	s5 =	sor.u32 s6, s5;
	s23 =	sshrl.u32 s7, $0x1;
	s6 =	sadd.s32 $0x200, s1  }
0xe: {  	v0 =	vmov s14;
	s14 =	simm.s32 $0x0;
	s5 =	sand.u32 $0x1C0, s5;
	s12 =	ssub.s32 s7, s23  }
.Ltmp0:
0xf: {  	s7 =	sadd.s32 $0x300, s1;
	s0 =	sadd.s32 s0, s5;
	(pc) =	sbr.rel .LBB2_1-.Ltmp0, $4  }
0x10: {  	s23 =	simm.s32 $0x4200;
	s26 =	smax.u32 s12, $0x1;
	[dreg:$0x4] =	wrdreg s0  }
0x11: {  	v1 =	vlaneseq.u32;
	s5 =	sadd.s32 $0x100, s1;
	s0 =	sadd.s32 s24, s2;
	[dreg:$0x5] =	wrdreg s26  }
0x12: {  	v2 =	vshrl.u32 v1, $0x3;
	s24 =	simm.s32 $0xCA00;
	s26 =	simm.s32 $0xDA00;
	s2 =	simm.s32 $0x1  }
0x13: {  	vm0 =	vmmov $0xffff;
	v1 =	vand.u32 $0x7, v1;
	v2 =	vmul.u32 $0x8, v2;
	s13 =	sadd.s32 s25, s0;
	s0 =	simm.s32 $0x8200;
	s25 =	simm.s32 $0xD200  }
.LBB2_6:
0x14: {  	s12 =	simm.s32 $0x5  }
0x15: {  	_ =	swait.ge [sflag:s12], $0x4000  }
0x16: {  	[sflag:s12] =	ssyncset.done $0x0  }
0x17: {  	s19 =	simm.s32 $0x6;
	[sflag:s12] =	ssyncadd.s32 $0xFFFFC000  }
0x18: {  	_ =	swait.ge [sflag:s19], $0x4000  }
0x19: {  	[sflag:s19] =	ssyncset.done $0x0  }
0x1a: {  	s20 =	simm.s32 $0x7;
	[sflag:s19] =	ssyncadd.s32 $0xFFFFC000  }
0x1b: {  	_ =	swait.ge [sflag:s20], $0x4000  }
0x1c: {  	[sflag:s20] =	ssyncset.done $0x0  }
0x1d: {  	[sflag:s20] =	ssyncadd.s32 $0xFFFFC000  }
0x1e: {  	_ =	swait.ge [sflag:s4], $0x4000  }
0x1f: {  	s14 =	rddreg [dreg:$0x6]  }
0x20: {  	s21 =	rddreg [dreg:$0x5];
	s14 =	sadd.s32 $0x1, s14  }
0x21: {  	p0 =	sne.s32 s14, s21  }
.Ltmp1:
0x22: {  	_ = 	snop;
	(pc) =	sbr.rel @!p0 .LBB2_7-.Ltmp1, $3  }
0x23: {  	_ =	sdelay $0x1  }
0x24: {  	[sflag:s4] =	ssyncset.done $0x0  }
0x25: {  	[sflag:s4] =	ssyncadd.s32 $0xFFFFC000  }
.LBB2_1:
0x26: {  	[dreg:$0x6] =	wrdreg s14  }
0x27: {  	s12 =	rddreg [dreg:$0x4];
	s21 =	simm.s32 $0x9  }
0x28: {  	[tilespmem:s3], [sflag:$0x9] =	stream.linear.gather [hbm4b:s12+s3], $0x200, $0x38;
	[tilespmem:$0x10200] =	vst v63  }
0x29: {  	_ =	swait.ge [sflag:s21], $0x200  }
0x2a: {  	[sflag:s21] =	ssyncset.done $0x0  }
0x2b: {  	s14 =	simm.s32 $0x0;
	s19 =	simm.s32 $0x40;
	[sflag:s21] =	ssyncadd.s32 $0xFFFFFE00  }
.LBB2_2:
0x2c: {  	p0 =	sne.s32 s19, $0x7C0;
	v3 =	vld [tilespmem:s14+$0x0];
	_ =	sdelay $0x1  }
.Ltmp2:
0x2d: {  	(pc) =	sbr.rel @p0 .LBB2_2-.Ltmp2, $3  }
0x2e: {  	_ =	sdelay $0x1  }
0x2f: {  	v3 =	vadd.s32 v0, v3  }
0x30: {  	[tilespmem:s14+$0x0] =	vst v3;
	s14 =	sshra.s32 s19, $0x2;
	s19 =	sadd.s32 $0x40, s19  }
0x31: {  	v3 =	vld [tilespmem:s14+$0x0];
	_ =	sdelay $0x4  }
0x32: {  	v3 =	vadd.s32 v0, v3  }
0x33: {  	[tilespmem:s14+$0x0] =	vst v3  }
0x34: {  	v3 =	vld.msk [tilespmem:$0x0], $0xff;
	_ =	sdelay $0x4  }
0x35: {  	v4 =	vshll.u32 v3, $0x4  }
0x36: {  	v3 =	vand.u32 $0x7, v3;
	v4 =	vand.u32 $0xFFFFFF80, v4  }
0x37: {  	v3 =	vor.u32 v3, v4  }
0x38: {  	v3 =	vperm.xlane v3, v1;
	_ =	sdelay $0x1  }
0x39: {  	v3 =	vadd.s32 v2, v3;
	_ =	sdelay $0x3  }
0x3a: {  	s14 =	simm.s32 $0x0  }
0x3b: {  	[tilespmem:s15], [sflag:$0x1] =	stream.indirect_vreg.gather [hbm4b:s1+s14], $0x80, v3, vm0, $0xb8;
	[tilespmem:$0x10200] =	vst v63  }
0x3c: {  	s12 =	simm.s32 $0xA00  }
0x3d: {  	[tilespmem:s12], [sflag:$0x1] =	stream.indirect_vreg.gather [hbm4b:s5+s14], $0x80, v3, vm0, $0xb8;
	[tilespmem:$0x10200] =	vst v63  }
0x3e: {  	s20 =	simm.s32 $0x1200  }
0x3f: {  	[tilespmem:s20], [sflag:$0x1] =	stream.indirect_vreg.gather [hbm4b:s6+s14], $0x80, v3, vm0, $0xb8;
	[tilespmem:$0x10200] =	vst v63  }
0x40: {  	s21 =	simm.s32 $0x1A00  }
0x41: {  	[tilespmem:s21], [sflag:$0x1] =	stream.indirect_vreg.gather [hbm4b:s7+s14], $0x80, v3, vm0, $0xb8;
	[tilespmem:$0x10200] =	vst v63  }
0x42: {  	s19 =	simm.s32 $0x2200  }
0x43: {  	[tilespmem:s19], [sflag:$0x1] =	stream.indirect_vreg.gather [hbm4b:s8+s14], $0x80, v3, vm0, $0xb8;
	[tilespmem:$0x10200] =	vst v63  }
0x44: {  	s20 =	simm.s32 $0x2A00  }
0x45: {  	[tilespmem:s20], [sflag:$0x1] =	stream.indirect_vreg.gather [hbm4b:s9+s14], $0x80, v3, vm0, $0xb8;
	[tilespmem:$0x10200] =	vst v63  }
0x46: {  	s21 =	simm.s32 $0x3200  }
0x47: {  	[tilespmem:s21], [sflag:$0x1] =	stream.indirect_vreg.gather [hbm4b:s10+s14], $0x80, v3, vm0, $0xb8;
	[tilespmem:$0x10200] =	vst v63  }
0x48: {  	s19 =	simm.s32 $0x3A00  }
0x49: {  	[tilespmem:s19], [sflag:$0x1] =	stream.indirect_vreg.gather [hbm4b:s11+s14], $0x80, v3, vm0, $0xb8;
	[tilespmem:$0x10200] =	vst v63  }
0x4a: {  	v3 =	vld.msk [tilespmem:$0x8], $0xff;
	_ =	sdelay $0x4  }
0x4b: {  	v61 =	vshll.u32 v3, $0x4  }
0x4c: {  	v3 =	vand.u32 $0x7, v3;
	v4 =	vand.u32 $0xFFFFFF80, v61  }
0x4d: {  	v3 =	vor.u32 v3, v4  }
0x4e: {  	v3 =	vperm.xlane v3, v1;
	_ =	sdelay $0x1  }
0x4f: {  	v3 =	vadd.s32 v2, v3;
	_ =	sdelay $0x4  }
0x50: {  	[tilespmem:s23], [sflag:$0x2] =	stream.indirect_vreg.gather [hbm4b:s1+s14], $0x80, v3, vm0, $0xb8;
	[tilespmem:$0x10200] =	vst v63  }
0x51: {  	s20 =	simm.s32 $0x4A00  }
0x52: {  	[tilespmem:s20], [sflag:$0x2] =	stream.indirect_vreg.gather [hbm4b:s5+s14], $0x80, v3, vm0, $0xb8;
	[tilespmem:$0x10200] =	vst v63  }
0x53: {  	s21 =	simm.s32 $0x5200  }
0x54: {  	[tilespmem:s21], [sflag:$0x2] =	stream.indirect_vreg.gather [hbm4b:s6+s14], $0x80, v3, vm0, $0xb8;
	[tilespmem:$0x10200] =	vst v63  }
0x55: {  	s19 =	simm.s32 $0x5A00  }
0x56: {  	[tilespmem:s19], [sflag:$0x2] =	stream.indirect_vreg.gather [hbm4b:s7+s14], $0x80, v3, vm0, $0xb8;
	[tilespmem:$0x10200] =	vst v63  }
0x57: {  	s20 =	simm.s32 $0x6200  }
0x58: {  	[tilespmem:s20], [sflag:$0x2] =	stream.indirect_vreg.gather [hbm4b:s8+s14], $0x80, v3, vm0, $0xb8;
	[tilespmem:$0x10200] =	vst v63  }
0x59: {  	s21 =	simm.s32 $0x6A00  }
0x5a: {  	[tilespmem:s21], [sflag:$0x2] =	stream.indirect_vreg.gather [hbm4b:s9+s14], $0x80, v3, vm0, $0xb8;
	[tilespmem:$0x10200] =	vst v63  }
0x5b: {  	s19 =	simm.s32 $0x7200  }
0x5c: {  	[tilespmem:s19], [sflag:$0x2] =	stream.indirect_vreg.gather [hbm4b:s10+s14], $0x80, v3, vm0, $0xb8;
	[tilespmem:$0x10200] =	vst v63  }
0x5d: {  	s20 =	simm.s32 $0x7A00  }
0x5e: {  	[tilespmem:s20], [sflag:$0x2] =	stream.indirect_vreg.gather [hbm4b:s11+s14], $0x80, v3, vm0, $0xb8;
	[tilespmem:$0x10200] =	vst v63  }
0x5f: {  	v3 =	vld.msk [tilespmem:$0x10], $0xff;
	_ =	sdelay $0x4  }
0x60: {  	v62 =	vshll.u32 v3, $0x4  }
0x61: {  	v3 =	vand.u32 $0x7, v3;
	v4 =	vand.u32 $0xFFFFFF80, v62  }
0x62: {  	v3 =	vor.u32 v3, v4  }
0x63: {  	v3 =	vperm.xlane v3, v1;
	_ =	sdelay $0x1  }
0x64: {  	v3 =	vadd.s32 v2, v3;
	_ =	sdelay $0x4  }
0x65: {  	[tilespmem:s0], [sflag:$0x3] =	stream.indirect_vreg.gather [hbm4b:s1+s14], $0x80, v3, vm0, $0xb8;
	[tilespmem:$0x10200] =	vst v63  }
0x66: {  	s21 =	simm.s32 $0x8A00  }
0x67: {  	[tilespmem:s21], [sflag:$0x3] =	stream.indirect_vreg.gather [hbm4b:s5+s14], $0x80, v3, vm0, $0xb8;
	[tilespmem:$0x10200] =	vst v63  }
0x68: {  	s19 =	simm.s32 $0x9200  }
0x69: {  	[tilespmem:s19], [sflag:$0x3] =	stream.indirect_vreg.gather [hbm4b:s6+s14], $0x80, v3, vm0, $0xb8;
	[tilespmem:$0x10200] =	vst v63  }
0x6a: {  	s20 =	simm.s32 $0x9A00  }
0x6b: {  	[tilespmem:s20], [sflag:$0x3] =	stream.indirect_vreg.gather [hbm4b:s7+s14], $0x80, v3, vm0, $0xb8;
	[tilespmem:$0x10200] =	vst v63  }
0x6c: {  	s21 =	simm.s32 $0xA200  }
0x6d: {  	[tilespmem:s21], [sflag:$0x3] =	stream.indirect_vreg.gather [hbm4b:s8+s14], $0x80, v3, vm0, $0xb8;
	[tilespmem:$0x10200] =	vst v63  }
0x6e: {  	s19 =	simm.s32 $0xAA00  }
0x6f: {  	[tilespmem:s19], [sflag:$0x3] =	stream.indirect_vreg.gather [hbm4b:s9+s14], $0x80, v3, vm0, $0xb8;
	[tilespmem:$0x10200] =	vst v63  }
0x70: {  	s20 =	simm.s32 $0xB200  }
0x71: {  	[tilespmem:s20], [sflag:$0x3] =	stream.indirect_vreg.gather [hbm4b:s10+s14], $0x80, v3, vm0, $0xb8;
	[tilespmem:$0x10200] =	vst v63  }
0x72: {  	s21 =	simm.s32 $0xBA00  }
0x73: {  	[tilespmem:s21], [sflag:$0x3] =	stream.indirect_vreg.gather [hbm4b:s11+s14], $0x80, v3, vm0, $0xb8;
	[tilespmem:$0x10200] =	vst v63  }
0x74: {  	v3 =	vld.msk [tilespmem:$0x18], $0xff;
	_ =	sdelay $0x4  }
0x75: {  	v63 =	vshll.u32 v3, $0x4  }
0x76: {  	v3 =	vand.u32 $0x7, v3;
	v4 =	vand.u32 $0xFFFFFF80, v63  }
0x77: {  	v3 =	vor.u32 v3, v4  }
0x78: {  	v3 =	vperm.xlane v3, v1;
	_ =	sdelay $0x1  }
0x79: {  	v3 =	vadd.s32 v2, v3;
	_ =	sdelay $0x4  }
0x7a: {  	[tilespmem:s22], [sflag:$0x4] =	stream.indirect_vreg.gather [hbm4b:s1+s14], $0x80, v3, vm0, $0xb8;
	[tilespmem:$0x10200] =	vst v63  }
0x7b: {  	_ = 	snop  }
0x7c: {  	[tilespmem:s24], [sflag:$0x4] =	stream.indirect_vreg.gather [hbm4b:s5+s14], $0x80, v3, vm0, $0xb8;
	[tilespmem:$0x10200] =	vst v63  }
0x7d: {  	_ = 	snop  }
0x7e: {  	[tilespmem:s25], [sflag:$0x4] =	stream.indirect_vreg.gather [hbm4b:s6+s14], $0x80, v3, vm0, $0xb8;
	[tilespmem:$0x10200] =	vst v63  }
0x7f: {  	_ = 	snop  }
0x80: {  	[tilespmem:s26], [sflag:$0x4] =	stream.indirect_vreg.gather [hbm4b:s7+s14], $0x80, v3, vm0, $0xb8;
	[tilespmem:$0x10200] =	vst v63  }
0x81: {  	_ = 	snop  }
0x82: {  	[tilespmem:s28], [sflag:$0x4] =	stream.indirect_vreg.gather [hbm4b:s8+s14], $0x80, v3, vm0, $0xb8;
	[tilespmem:$0x10200] =	vst v63  }
0x83: {  	_ = 	snop  }
0x84: {  	[tilespmem:s29], [sflag:$0x4] =	stream.indirect_vreg.gather [hbm4b:s9+s14], $0x80, v3, vm0, $0xb8;
	[tilespmem:$0x10200] =	vst v63  }
0x85: {  	_ = 	snop  }
0x86: {  	[tilespmem:s30], [sflag:$0x4] =	stream.indirect_vreg.gather [hbm4b:s10+s14], $0x80, v3, vm0, $0xb8;
	[tilespmem:$0x10200] =	vst v63  }
0x87: {  	s19 =	simm.s32 $0x38  }
0x88: {  	[tilespmem:s31], [sflag:$0x4] =	stream.indirect_vreg.gather [hbm4b:s11+s14], $0x80, v3, vm0, $0xb8;
	[tilespmem:$0x10200] =	vst v63  }
.LBB2_4:
0x89: {  	_ =	swait.ge [sflag:s2], $0x4000  }
0x8a: {  	p0 =	seq.s32 s14, $0x1E000;
	[sflag:s2] =	ssyncset.done $0x0  }
0x8b: {  	s20 =	sadd.s32 s14, s13;
	s21 =	simm.s32 @!p0 $0x5;
	[sflag:s2] =	ssyncadd.s32 $0xFFFFC000  }
0x8c: {  	[hbm4b:s20+s3] =	stream.linear.scatter [tilespmem:s15], [sflag:$0x5], $0x4000, $0x38;
	[tilespmem:$0x10200] =	vst v63  }
0x8d: {  	_ =	swait.ge @!p0 [sflag:s21], $0x4000  }
0x8e: {  	[sflag:s21] =	ssyncset.done @!p0 $0x0  }
0x8f: {  	[sflag:s21] =	ssyncadd.s32 @!p0 $0xFFFFC000  }
0x90: {  	v3 =	vld.msk @!p0 [tilespmem:s19+$0xFFFFFFE8], $0xff;
	_ =	sdelay $0x4  }
0x91: {  	v4 =	vshll.u32 @!p0 v3, $0x4  }
0x92: {  	v5 =	vlaneseq.u32 @!p0;
	v3 =	vand.u32 @!p0 $0x7, v3;
	v4 =	vand.u32 @!p0 $0xFFFFFF80, v4  }
0x93: {  	v3 =	vor.u32 @!p0 v3, v4;
	v4 =	vand.u32 @!p0 $0x7, v5;
	v5 =	vshrl.u32 @!p0 v5, $0x3  }
0x94: {  	v3 =	vperm.xlane @!p0 v3, v4;
	v5 =	vmul.u32 @!p0 $0x8, v5;
	_ =	sdelay $0x1  }
0x95: {  	v3 =	vadd.s32 @!p0 v5, v3;
	_ =	sdelay $0x3  }
0x96: {  	vm1 =	vmmov @!p0 $0xffff;
	s12 =	simm.s32 @!p0 $0x200;
	s21 =	simm.s32 @!p0 $0x0  }
0x97: {  	[tilespmem:s12], [sflag:$0x1] =	stream.indirect_vreg.gather @!p0 [hbm4b:s1+s21], $0x80, v3, vm1, $0xb8;
	[tilespmem:$0x10200] =	vst v63  }
0x98: {  	s12 =	simm.s32 @!p0 $0xA00  }
0x99: {  	[tilespmem:s12], [sflag:$0x1] =	stream.indirect_vreg.gather @!p0 [hbm4b:s5+s21], $0x80, v3, vm1, $0xb8;
	[tilespmem:$0x10200] =	vst v63  }
0x9a: {  	s12 =	simm.s32 @!p0 $0x1200  }
0x9b: {  	[tilespmem:s12], [sflag:$0x1] =	stream.indirect_vreg.gather @!p0 [hbm4b:s6+s21], $0x80, v3, vm1, $0xb8;
	[tilespmem:$0x10200] =	vst v63  }
0x9c: {  	s12 =	simm.s32 @!p0 $0x1A00  }
0x9d: {  	[tilespmem:s12], [sflag:$0x1] =	stream.indirect_vreg.gather @!p0 [hbm4b:s7+s21], $0x80, v3, vm1, $0xb8;
	[tilespmem:$0x10200] =	vst v63  }
0x9e: {  	s12 =	simm.s32 @!p0 $0x2200  }
0x9f: {  	[tilespmem:s12], [sflag:$0x1] =	stream.indirect_vreg.gather @!p0 [hbm4b:s8+s21], $0x80, v3, vm1, $0xb8;
	[tilespmem:$0x10200] =	vst v63  }
0xa0: {  	s12 =	simm.s32 @!p0 $0x2A00  }
0xa1: {  	[tilespmem:s12], [sflag:$0x1] =	stream.indirect_vreg.gather @!p0 [hbm4b:s9+s21], $0x80, v3, vm1, $0xb8;
	[tilespmem:$0x10200] =	vst v63  }
0xa2: {  	s12 =	simm.s32 @!p0 $0x3200  }
0xa3: {  	[tilespmem:s12], [sflag:$0x1] =	stream.indirect_vreg.gather @!p0 [hbm4b:s10+s21], $0x80, v3, vm1, $0xb8;
	[tilespmem:$0x10200] =	vst v63  }
0xa4: {  	s12 =	simm.s32 @!p0 $0x3A00  }
0xa5: {  	[tilespmem:s12], [sflag:$0x1] =	stream.indirect_vreg.gather @!p0 [hbm4b:s11+s21], $0x80, v3, vm1, $0xb8;
	[tilespmem:$0x10200] =	vst v63  }
0xa6: {  	_ =	swait.ge [sflag:s16], $0x4000  }
0xa7: {  	[sflag:s16] =	ssyncset.done $0x0  }
0xa8: {  	s12 =	sadd.s32 $0x800, s20;
	[sflag:s16] =	ssyncadd.s32 $0xFFFFC000  }
0xa9: {  	[hbm4b:s12+s3] =	stream.linear.scatter [tilespmem:s23], [sflag:$0x6], $0x4000, $0x38;
	[tilespmem:$0x10200] =	vst v63  }
0xaa: {  	s12 =	simm.s32 @!p0 $0x6  }
0xab: {  	_ =	swait.ge @!p0 [sflag:s12], $0x4000  }
0xac: {  	[sflag:s12] =	ssyncset.done @!p0 $0x0  }
0xad: {  	[sflag:s12] =	ssyncadd.s32 @!p0 $0xFFFFC000  }
0xae: {  	v3 =	vld.msk @!p0 [tilespmem:s19+$0xFFFFFFF0], $0xff;
	_ =	sdelay $0x4  }
0xaf: {  	v6 =	vshll.u32 @!p0 v3, $0x4  }
0xb0: {  	v3 =	vand.u32 @!p0 $0x7, v3;
	v6 =	vand.u32 @!p0 $0xFFFFFF80, v6  }
0xb1: {  	v3 =	vor.u32 @!p0 v3, v6  }
0xb2: {  	v3 =	vperm.xlane @!p0 v3, v4;
	_ =	sdelay $0x1  }
0xb3: {  	v3 =	vadd.s32 @!p0 v5, v3;
	_ =	sdelay $0x3  }
0xb4: {  	s12 =	simm.s32 @!p0 $0x4200  }
0xb5: {  	[tilespmem:s12], [sflag:$0x2] =	stream.indirect_vreg.gather @!p0 [hbm4b:s1+s21], $0x80, v3, vm1, $0xb8;
	[tilespmem:$0x10200] =	vst v63  }
0xb6: {  	s12 =	simm.s32 @!p0 $0x4A00  }
0xb7: {  	[tilespmem:s12], [sflag:$0x2] =	stream.indirect_vreg.gather @!p0 [hbm4b:s5+s21], $0x80, v3, vm1, $0xb8;
	[tilespmem:$0x10200] =	vst v63  }
0xb8: {  	s12 =	simm.s32 @!p0 $0x5200  }
0xb9: {  	[tilespmem:s12], [sflag:$0x2] =	stream.indirect_vreg.gather @!p0 [hbm4b:s6+s21], $0x80, v3, vm1, $0xb8;
	[tilespmem:$0x10200] =	vst v63  }
0xba: {  	s12 =	simm.s32 @!p0 $0x5A00  }
0xbb: {  	[tilespmem:s12], [sflag:$0x2] =	stream.indirect_vreg.gather @!p0 [hbm4b:s7+s21], $0x80, v3, vm1, $0xb8;
	[tilespmem:$0x10200] =	vst v63  }
0xbc: {  	s12 =	simm.s32 @!p0 $0x6200  }
0xbd: {  	[tilespmem:s12], [sflag:$0x2] =	stream.indirect_vreg.gather @!p0 [hbm4b:s8+s21], $0x80, v3, vm1, $0xb8;
	[tilespmem:$0x10200] =	vst v63  }
0xbe: {  	s12 =	simm.s32 @!p0 $0x6A00  }
0xbf: {  	[tilespmem:s12], [sflag:$0x2] =	stream.indirect_vreg.gather @!p0 [hbm4b:s9+s21], $0x80, v3, vm1, $0xb8;
	[tilespmem:$0x10200] =	vst v63  }
0xc0: {  	s12 =	simm.s32 @!p0 $0x7200  }
0xc1: {  	[tilespmem:s12], [sflag:$0x2] =	stream.indirect_vreg.gather @!p0 [hbm4b:s10+s21], $0x80, v3, vm1, $0xb8;
	[tilespmem:$0x10200] =	vst v63  }
0xc2: {  	s12 =	simm.s32 @!p0 $0x7A00  }
0xc3: {  	[tilespmem:s12], [sflag:$0x2] =	stream.indirect_vreg.gather @!p0 [hbm4b:s11+s21], $0x80, v3, vm1, $0xb8;
	[tilespmem:$0x10200] =	vst v63  }
0xc4: {  	_ =	swait.ge [sflag:s17], $0x4000  }
0xc5: {  	[sflag:s17] =	ssyncset.done $0x0  }
0xc6: {  	s12 =	sadd.s32 $0x1000, s20;
	[sflag:s17] =	ssyncadd.s32 $0xFFFFC000  }
0xc7: {  	[hbm4b:s12+s3] =	stream.linear.scatter [tilespmem:s0], [sflag:$0x7], $0x4000, $0x38;
	[tilespmem:$0x10200] =	vst v63  }
0xc8: {  	s12 =	simm.s32 @!p0 $0x7  }
0xc9: {  	_ =	swait.ge @!p0 [sflag:s12], $0x4000  }
0xca: {  	[sflag:s12] =	ssyncset.done @!p0 $0x0  }
0xcb: {  	[sflag:s12] =	ssyncadd.s32 @!p0 $0xFFFFC000  }
0xcc: {  	v3 =	vld.msk @!p0 [tilespmem:s19+$0xFFFFFFF8], $0xff;
	_ =	sdelay $0x4  }
0xcd: {  	v6 =	vshll.u32 @!p0 v3, $0x4  }
0xce: {  	v3 =	vand.u32 @!p0 $0x7, v3;
	v6 =	vand.u32 @!p0 $0xFFFFFF80, v6  }
0xcf: {  	v3 =	vor.u32 @!p0 v3, v6  }
0xd0: {  	v3 =	vperm.xlane @!p0 v3, v4;
	_ =	sdelay $0x1  }
0xd1: {  	v3 =	vadd.s32 @!p0 v5, v3;
	_ =	sdelay $0x3  }
0xd2: {  	s12 =	simm.s32 @!p0 $0x8200  }
0xd3: {  	[tilespmem:s12], [sflag:$0x3] =	stream.indirect_vreg.gather @!p0 [hbm4b:s1+s21], $0x80, v3, vm1, $0xb8;
	[tilespmem:$0x10200] =	vst v63  }
0xd4: {  	s12 =	simm.s32 @!p0 $0x8A00  }
0xd5: {  	[tilespmem:s12], [sflag:$0x3] =	stream.indirect_vreg.gather @!p0 [hbm4b:s5+s21], $0x80, v3, vm1, $0xb8;
	[tilespmem:$0x10200] =	vst v63  }
0xd6: {  	s12 =	simm.s32 @!p0 $0x9200  }
0xd7: {  	[tilespmem:s12], [sflag:$0x3] =	stream.indirect_vreg.gather @!p0 [hbm4b:s6+s21], $0x80, v3, vm1, $0xb8;
	[tilespmem:$0x10200] =	vst v63  }
0xd8: {  	s12 =	simm.s32 @!p0 $0x9A00  }
0xd9: {  	[tilespmem:s12], [sflag:$0x3] =	stream.indirect_vreg.gather @!p0 [hbm4b:s7+s21], $0x80, v3, vm1, $0xb8;
	[tilespmem:$0x10200] =	vst v63  }
0xda: {  	s12 =	simm.s32 @!p0 $0xA200  }
0xdb: {  	[tilespmem:s12], [sflag:$0x3] =	stream.indirect_vreg.gather @!p0 [hbm4b:s8+s21], $0x80, v3, vm1, $0xb8;
	[tilespmem:$0x10200] =	vst v63  }
0xdc: {  	s12 =	simm.s32 @!p0 $0xAA00  }
0xdd: {  	[tilespmem:s12], [sflag:$0x3] =	stream.indirect_vreg.gather @!p0 [hbm4b:s9+s21], $0x80, v3, vm1, $0xb8;
	[tilespmem:$0x10200] =	vst v63  }
0xde: {  	s12 =	simm.s32 @!p0 $0xB200  }
0xdf: {  	[tilespmem:s12], [sflag:$0x3] =	stream.indirect_vreg.gather @!p0 [hbm4b:s10+s21], $0x80, v3, vm1, $0xb8;
	[tilespmem:$0x10200] =	vst v63  }
0xe0: {  	s12 =	simm.s32 @!p0 $0xBA00  }
0xe1: {  	[tilespmem:s12], [sflag:$0x3] =	stream.indirect_vreg.gather @!p0 [hbm4b:s11+s21], $0x80, v3, vm1, $0xb8;
	[tilespmem:$0x10200] =	vst v63  }
.Ltmp3:
0xe2: {  	_ = 	snop;
	(pc) =	sbr.rel @p0 .LBB2_6-.Ltmp3, $4  }
0xe3: {  	_ =	swait.ge [sflag:s18], $0x4000  }
0xe4: {  	[sflag:s18] =	ssyncset.done $0x0  }
0xe5: {  	s21 =	sadd.s32 $0x1800, s20;
	[sflag:s18] =	ssyncadd.s32 $0xFFFFC000  }
0xe6: {  	[hbm4b:s21+s3] =	stream.linear.scatter [tilespmem:s22], [sflag:$0x8], $0x4000, $0x38;
	[tilespmem:$0x10200] =	vst v63  }
0xe7: {  	_ =	swait.ge [sflag:s4], $0x4000  }
0xe8: {  	[sflag:s4] =	ssyncset.done $0x0  }
0xe9: {  	[sflag:s4] =	ssyncadd.s32 $0xFFFFC000  }
0xea: {  	v3 =	vld.msk [tilespmem:s19+$0x0], $0xff;
	_ =	sdelay $0x4  }
0xeb: {  	v4 =	vshll.u32 v3, $0x4  }
0xec: {  	v3 =	vand.u32 $0x7, v3;
	v4 =	vand.u32 $0xFFFFFF80, v4  }
0xed: {  	v3 =	vor.u32 v3, v4  }
0xee: {  	v3 =	vperm.xlane v3, v1;
	_ =	sdelay $0x1  }
0xef: {  	v3 =	vadd.s32 v2, v3;
	_ =	sdelay $0x4  }
0xf0: {  	[tilespmem:s22], [sflag:$0x4] =	stream.indirect_vreg.gather [hbm4b:s1+s3], $0x80, v3, vm0, $0xb8;
	[tilespmem:$0x10200] =	vst v63  }
0xf1: {  	_ = 	snop  }
0xf2: {  	[tilespmem:s24], [sflag:$0x4] =	stream.indirect_vreg.gather [hbm4b:s5+s3], $0x80, v3, vm0, $0xb8;
	[tilespmem:$0x10200] =	vst v63  }
0xf3: {  	_ = 	snop  }
0xf4: {  	[tilespmem:s25], [sflag:$0x4] =	stream.indirect_vreg.gather [hbm4b:s6+s3], $0x80, v3, vm0, $0xb8;
	[tilespmem:$0x10200] =	vst v63  }
0xf5: {  	_ = 	snop  }
0xf6: {  	[tilespmem:s26], [sflag:$0x4] =	stream.indirect_vreg.gather [hbm4b:s7+s3], $0x80, v3, vm0, $0xb8;
	[tilespmem:$0x10200] =	vst v63  }
0xf7: {  	_ = 	snop  }
0xf8: {  	[tilespmem:s28], [sflag:$0x4] =	stream.indirect_vreg.gather [hbm4b:s8+s3], $0x80, v3, vm0, $0xb8;
	[tilespmem:$0x10200] =	vst v63  }
0xf9: {  	_ = 	snop  }
0xfa: {  	[tilespmem:s29], [sflag:$0x4] =	stream.indirect_vreg.gather [hbm4b:s9+s3], $0x80, v3, vm0, $0xb8;
	[tilespmem:$0x10200] =	vst v63  }
.Ltmp4:
0xfb: {  	_ = 	snop;
	(pc) =	sbr.rel .LBB2_4-.Ltmp4, $4  }
0xfc: {  	_ = 	snop  }
0xfd: {  	[tilespmem:s30], [sflag:$0x4] =	stream.indirect_vreg.gather [hbm4b:s10+s3], $0x80, v3, vm0, $0xb8;
	[tilespmem:$0x10200] =	vst v63  }
0xfe: {  	s14 =	sadd.s32 $0x2000, s14;
	s19 =	sadd.s32 $0x20, s19  }
0xff: {  	[tilespmem:s31], [sflag:$0x4] =	stream.indirect_vreg.gather [hbm4b:s11+s3], $0x80, v3, vm0, $0xb8;
	[tilespmem:$0x10200] =	vst v63  }
.LBB2_7:
0x100: {  	_ =	sfence.sel $0x180000  }
0x101: {  	[bflag:$0x0] =	sbarrier.arrive $0xFFFF  }
0x102: {  	_ =	strace $0x90000047  }
0x103: {  	s0 =	stileid.u32;
	[bflag:$0x2] =	sbarrier.arrive $0xFFFF  }
0x104: {  	p0 =	sne.s32 s0, $0x0;
	s0 =	rddreg [dreg:$0x3]  }
0x105: {  	s0 =	sadd.s32 @!p0 $0x100000, s0  }
0x106: {  	[sflag:s0] =	ssyncadd.tile.s32 @!p0 $0x1;
	_ =	shalt  }
.Lfunc_end2:
_tile_overlayer_lowered:
.L_overlay_start_2:
0x107: {  	(tag) =	ssettag $0x2  }
0x108: {  	s0 =	rddreg [dreg:$0x0];
	s2 =	stileid.u32  }
0x109: {  	s1 =	rddreg [dreg:$0x1];
	p0 =	sne.s32 s2, $0x0  }
0x10a: {  	s3 =	rddreg [dreg:$0x2];
	[bflag:$0x3] =	sbarrier.arrive $0xFFFF;
	s2 =	simm.s32 @!p0 $0x1C09  }
0x10b: {  	[timem:s3], [sflag:s2] =	dma.local @!p0 [hbm:s0], s1  }
0x10c: {  	s0 =	simm.s32 @!p0 $0x9  }
0x10d: {  	_ =	swait.ge @!p0 [sflag:s0], s1  }
0x10e: {  	s1 =	ssub.s32 @!p0 $0x0, s1;
	[sflag:s0] =	ssyncset.done @!p0 $0x0  }
0x10f: {  	[sflag:s0] =	ssyncadd.s32 @!p0 s1  }
0x110: {  	[bflag:$0x3] =	sbarrier.arrive $0xFFFF  }
0x111: {  	_ =	shalt  }

</sc_bundles>
